<compile_context>
chip_gen: v7x
topology: tpu7x:2x2x1
jax: 0.10.2.dev20260603
libtpu: 0.0.44.dev20260713+nightly
codegen_flags: <defaults>
</compile_context>

<pallas_src>
import jax
import jax.numpy as jnp
from jax import lax
from jax.experimental import pallas as pl
from jax.experimental.pallas import tpu as pltpu
from jax.experimental.pallas import tpu_sc as plsc

N_NODES = 10000
N_EDGES = 320000
D_FEAT = 128

_INFO = plsc.get_sparse_core_info()
NC = _INFO.num_cores
NS = _INFO.num_subcores
LANES = _INFO.num_lanes
D_HALF = D_FEAT // NC
EDGES_PER_T = N_EDGES // NS
BATCH = 800
NBATCH = EDGES_PER_T // BATCH
ROWS_PER_TILE = 624
TAIL_ROWS = N_NODES - NS * ROWS_PER_TILE


def _proj_body(h_ref, w_ref, bias_ref, out_ref):
    out_ref[...] = (
        jnp.dot(h_ref[...], w_ref[...], preferred_element_type=jnp.float32)
        + bias_ref[...]
    )


def _proj(h, wt, bias2):
    return pl.pallas_call(
        _proj_body,
        out_shape=jax.ShapeDtypeStruct((N_NODES, 2), jnp.float32),
    )(h, wt, bias2)


def _edges_body(src_hbm, dst_hbm, a_hbm, b_hbm, d_hbm, h0_hbm, h1_hbm,
                out_hbm,
                a_v, b_v, d_v, src_v, dst_v, e_v, rows_v, z_sh, sem):
    cid = lax.axis_index("c")
    sid = lax.axis_index("s")
    base = sid * EDGES_PER_T

    pltpu.sync_copy(a_hbm, a_v)
    pltpu.sync_copy(b_hbm, b_v)
    pltpu.sync_copy(d_hbm, d_v)

    def _zero_row(j, _):
        for k in range(D_HALF // LANES):
            rows_v[j, pl.ds(k * LANES, LANES)] = jnp.zeros(
                (LANES,), jnp.float32)
        return 0
    lax.fori_loop(0, ROWS_PER_TILE, _zero_row, 0)

    r0 = sid * ROWS_PER_TILE
    pltpu.sync_copy(rows_v.at[pl.ds(0, ROWS_PER_TILE)],
                    z_sh.at[pl.ds(r0, ROWS_PER_TILE)])

    @pl.when(sid == NS - 1)
    def _zero_tail():
        pltpu.sync_copy(rows_v.at[pl.ds(0, TAIL_ROWS)],
                        z_sh.at[pl.ds(NS * ROWS_PER_TILE, TAIL_ROWS)])

    plsc.subcore_barrier()

    zeros16 = jnp.zeros((LANES,), jnp.int32)

    def _batch(g, _):
        eb = base + g * BATCH
        pltpu.sync_copy(src_hbm.at[pl.ds(eb, BATCH)], src_v)
        pltpu.sync_copy(dst_hbm.at[pl.ds(eb, BATCH)], dst_v)

        @pl.when(cid == 0)
        def _gat0():
            pltpu.async_copy(h0_hbm.at[src_v], rows_v, sem)

        @pl.when(cid == 1)
        def _gat1():
            pltpu.async_copy(h1_hbm.at[src_v], rows_v, sem)

        def _gate(j, _):
            s16 = src_v[pl.ds(j * LANES, LANES)]
            t16 = dst_v[pl.ds(j * LANES, LANES)]
            av = plsc.load_gather(a_v, [t16])
            bv = plsc.load_gather(b_v, [s16])
            dd = plsc.load_gather(d_v, [t16])
            ds_ = plsc.load_gather(d_v, [s16])
            t = av + bv
            gt = 1.0 - 2.0 / (jnp.exp(2.0 * t) + 1.0)
            e_v[pl.ds(j * LANES, LANES)] = gt * dd * ds_
            return 0
        lax.fori_loop(0, BATCH // LANES, _gate, 0)

        pltpu.make_async_copy(h0_hbm.at[src_v], rows_v, sem).wait()

        def _scale(j, _):
            esp = plsc.load_gather(e_v, [zeros16 + j])
            for k in range(D_HALF // LANES):
                sl = pl.ds(k * LANES, LANES)
                rows_v[j, sl] = rows_v[j, sl] * esp
            return 0
        lax.fori_loop(0, BATCH, _scale, 0)

        pltpu.sync_copy(rows_v.at[pl.ds(0, BATCH)], z_sh.at[dst_v], add=True)
        return 0

    lax.fori_loop(0, NBATCH, _batch, 0)
    plsc.subcore_barrier()

    pltpu.sync_copy(z_sh.at[pl.ds(r0, ROWS_PER_TILE)],
                    out_hbm.at[cid, pl.ds(r0, ROWS_PER_TILE)])

    @pl.when(sid == NS - 1)
    def _copy_tail():
        pltpu.sync_copy(z_sh.at[pl.ds(NS * ROWS_PER_TILE, TAIL_ROWS)],
                        out_hbm.at[cid, pl.ds(NS * ROWS_PER_TILE, TAIL_ROWS)])


@jax.jit
def _run(h, edge_index, d, proj):
    src = edge_index[0]
    dst = edge_index[1]
    a = proj[:, 0]
    b = proj[:, 1]
    h0 = h[:, :D_HALF]
    h1 = h[:, D_HALF:]
    mesh = plsc.VectorSubcoreMesh(core_axis_name="c", subcore_axis_name="s")
    out = pl.kernel(
        _edges_body,
        out_type=jax.ShapeDtypeStruct((NC, N_NODES, D_HALF), jnp.float32),
        mesh=mesh,
        compiler_params=pltpu.CompilerParams(
            needs_layout_passes=False, use_tc_tiling_on_sc=False),
        scratch_types=[
            pltpu.VMEM((N_NODES,), jnp.float32),
            pltpu.VMEM((N_NODES,), jnp.float32),
            pltpu.VMEM((N_NODES,), jnp.float32),
            pltpu.VMEM((BATCH,), jnp.int32),
            pltpu.VMEM((BATCH,), jnp.int32),
            pltpu.VMEM((BATCH,), jnp.float32),
            pltpu.VMEM((BATCH, D_HALF), jnp.float32),
            pltpu.VMEM_SHARED((N_NODES, D_HALF), jnp.float32),
            pltpu.SemaphoreType.DMA,
        ],
    )(src, dst, a, b, d, h0, h1)
    return jnp.concatenate([out[0], out[1]], axis=1)


def kernel(h, edge_index, d, gate_W, gate_b):
    w_dst = gate_W[0, :D_FEAT]
    w_src = gate_W[0, D_FEAT:]
    wt = jnp.stack([w_dst, w_src], axis=1)
    bias2 = jnp.stack([gate_b[0], jnp.zeros((), jnp.float32)]).reshape(1, 2)
    proj = _proj(h, wt, bias2)
    return _run(h, edge_index, d, proj)

# --- scband reference (transcript-rebuilt; emitter-appended) ---
"""Pipeline reference for scband-falayer-91173565759775 (READ-ONLY COPY).

The authoritative reference and input builder live on the scoring server;
editing this copy changes nothing except your own understanding.
"""

import jax, jax.numpy as jnp
import numpy as np

N_NODES = 10000
N_EDGES = 320000
D_FEAT = 128


def setup_inputs(seed: int = 0) -> dict:
    key = jax.random.key(seed)
    k1, k2, k3, k4 = jax.random.split(key, 4)
    h = jax.random.normal(k1, (N_NODES, D_FEAT), dtype=jnp.float32)
    edge_index = jax.random.randint(k2, (2, N_EDGES), 0, N_NODES)
    # per-node degree normalization term (ndata['d'] in DGL, typically 1/sqrt(deg))
    d = jax.random.uniform(k3, (N_NODES,), dtype=jnp.float32)
    # gate: Linear(2*in_dim, 1) with xavier_normal_(gain=1.414)
    fan_in, fan_out = 2 * D_FEAT, 1
    std = 1.414 * np.sqrt(2.0 / (fan_in + fan_out))
    gate_W = jax.random.normal(k4, (1, 2 * D_FEAT), dtype=jnp.float32) * std
    gate_b = jnp.zeros((1,), dtype=jnp.float32)
    return {"h": h, "edge_index": edge_index, "d": d, "gate_W": gate_W, "gate_b": gate_b}


def reference(h, edge_index, d, gate_W, gate_b):
    # DGL edges: edge_index[0] = src (u), edge_index[1] = dst (v)
    src = edge_index[0]
    dst = edge_index[1]
    # edge_applying: h2 = cat([dst_h, src_h]); g = tanh(gate(h2)).squeeze()
    h_dst = jnp.take(h, dst, axis=0)
    h_src = jnp.take(h, src, axis=0)
    h2 = jnp.concatenate([h_dst, h_src], axis=1)
    g = jnp.tanh(h2 @ gate_W.T + gate_b).squeeze(-1)
    # e = g * d_dst * d_src
    e = g * jnp.take(d, dst) * jnp.take(d, src)
    # update_all: message m = h_src * e ; reduce sum into dst -> z
    m = h_src * e[:, None]
    z = jax.ops.segment_sum(m, dst, num_segments=h.shape[0])
    return z

if __name__ == "__main__":
    import jax
    _d = setup_inputs()
    print(jax.jit(kernel)(*tuple(_d.values())))

</pallas_src>

<mosaic_0001>
#map = affine_map<(d0, d1) -> (0)>
#map1 = affine_map<(d0, d1) -> (0, 0)>
#map2 = affine_map<(d0, d1) -> (0, 0, 0)>
module attributes {stable_mosaic.version = 14 : i64} {
  func.func @_edges_body(%arg0: i32, %arg1: i32, %arg2: memref<320000xi32, #tpu.memory_space<hbm>>, %arg3: memref<320000xi32, #tpu.memory_space<hbm>>, %arg4: memref<10000xf32, #tpu.memory_space<hbm>>, %arg5: memref<10000xf32, #tpu.memory_space<hbm>>, %arg6: memref<10000xf32, #tpu.memory_space<hbm>>, %arg7: memref<10000x64xf32, #tpu.memory_space<hbm>>, %arg8: memref<10000x64xf32, #tpu.memory_space<hbm>>, %arg9: memref<2x10000x64xf32, #tpu.memory_space<hbm>>, %arg10: memref<10000xf32, #tpu.memory_space<vmem>>, %arg11: memref<10000xf32, #tpu.memory_space<vmem>>, %arg12: memref<10000xf32, #tpu.memory_space<vmem>>, %arg13: memref<800xi32, #tpu.memory_space<vmem>>, %arg14: memref<800xi32, #tpu.memory_space<vmem>>, %arg15: memref<800xf32, #tpu.memory_space<vmem>>, %arg16: memref<800x64xf32, #tpu.memory_space<vmem>>, %arg17: memref<10000x64xf32, #tpu.memory_space<vmem_shared>>, %arg18: memref<!tpu.dma_semaphore, #tpu.memory_space<semaphore_mem>>) attributes {dimension_semantics = [#tpu.dimension_semantics<core_parallel>, #tpu.dimension_semantics<subcore_parallel>], iteration_bounds = array<i64: 2, 16>, scalar_prefetch = 0 : i64, scratch_operands = 9 : i64, tpu.core_type = #tpu.core_type<sc_vector_subcore>, window_params = [{transform_indices = #map}, {transform_indices = #map}, {transform_indices = #map}, {transform_indices = #map}, {transform_indices = #map}, {transform_indices = #map1}, {transform_indices = #map1}, {transform_indices = #map2}]} {
    %mul3A = arith.constant 20000 : i32
    %mul3A_0 = arith.muli %arg1, %mul3A : i32
    "tpu.region"() ({
      %run_scoped3A = tpu.sem_alloc : memref<!tpu.dma_semaphore, #tpu.memory_space<semaphore_mem>>
      tpu.enqueue_dma source(%arg4 : memref<10000xf32, #tpu.memory_space<hbm>>) target(%arg10 : memref<10000xf32, #tpu.memory_space<vmem>>) target_semaphore(%run_scoped3A : memref<!tpu.dma_semaphore, #tpu.memory_space<semaphore_mem>>)
      tpu.wait_dma2 semaphore(%run_scoped3A : memref<!tpu.dma_semaphore, #tpu.memory_space<semaphore_mem>>) src(%arg4 : memref<10000xf32, #tpu.memory_space<hbm>>) dst(%arg10 : memref<10000xf32, #tpu.memory_space<vmem>>)
      tpu.yield
    }) : () -> ()
    "tpu.region"() ({
      %run_scoped3A = tpu.sem_alloc : memref<!tpu.dma_semaphore, #tpu.memory_space<semaphore_mem>>
      tpu.enqueue_dma source(%arg5 : memref<10000xf32, #tpu.memory_space<hbm>>) target(%arg11 : memref<10000xf32, #tpu.memory_space<vmem>>) target_semaphore(%run_scoped3A : memref<!tpu.dma_semaphore, #tpu.memory_space<semaphore_mem>>)
      tpu.wait_dma2 semaphore(%run_scoped3A : memref<!tpu.dma_semaphore, #tpu.memory_space<semaphore_mem>>) src(%arg5 : memref<10000xf32, #tpu.memory_space<hbm>>) dst(%arg11 : memref<10000xf32, #tpu.memory_space<vmem>>)
      tpu.yield
    }) : () -> ()
    "tpu.region"() ({
      %run_scoped3A = tpu.sem_alloc : memref<!tpu.dma_semaphore, #tpu.memory_space<semaphore_mem>>
      tpu.enqueue_dma source(%arg6 : memref<10000xf32, #tpu.memory_space<hbm>>) target(%arg12 : memref<10000xf32, #tpu.memory_space<vmem>>) target_semaphore(%run_scoped3A : memref<!tpu.dma_semaphore, #tpu.memory_space<semaphore_mem>>)
      tpu.wait_dma2 semaphore(%run_scoped3A : memref<!tpu.dma_semaphore, #tpu.memory_space<semaphore_mem>>) src(%arg6 : memref<10000xf32, #tpu.memory_space<hbm>>) dst(%arg12 : memref<10000xf32, #tpu.memory_space<vmem>>)
      tpu.yield
    }) : () -> ()
    %scan3A = arith.constant 0 : i32
    %scan3A_1 = arith.constant 0 : i32
    %scan3A_2 = arith.constant 624 : i32
    %scan3A_3 = arith.addi %scan3A_1, %scan3A_2 : i32
    %scan3A_4 = arith.constant 1 : i32
    %scan3A_5 = scf.for %scan3A_25 = %scan3A_1 to %scan3A_3 step %scan3A_4 iter_args(%scan3A_26 = %scan3A) -> (i32)  : i32 {
      %broadcast_in_dim3A_27 = arith.constant 0.000000e+00 : f32
      %broadcast_in_dim3A_28 = vector.broadcast %broadcast_in_dim3A_27 : f32 to vector<16xf32>
      %swap3A = arith.index_cast %scan3A_25 : i32 to index
      %swap3A_29 = arith.constant 0 : index
      %swap3A_30 = tpu.vector_load %arg16[%swap3A, %swap3A_29] {strides = array<i32>} : memref<800x64xf32, #tpu.memory_space<vmem>>, vector<16xf32>,
      tpu.vector_store %arg16[%swap3A, %swap3A_29], %broadcast_in_dim3A_28 {strides = array<i32>} : memref<800x64xf32, #tpu.memory_space<vmem>>, vector<16xf32>,
      %broadcast_in_dim3A_31 = arith.constant 0.000000e+00 : f32
      %broadcast_in_dim3A_32 = vector.broadcast %broadcast_in_dim3A_31 : f32 to vector<16xf32>
      %swap3A_33 = arith.index_cast %scan3A_25 : i32 to index
      %swap3A_34 = arith.constant 16 : index
      %swap3A_35 = tpu.vector_load %arg16[%swap3A_33, %swap3A_34] {strides = array<i32>} : memref<800x64xf32, #tpu.memory_space<vmem>>, vector<16xf32>,
      tpu.vector_store %arg16[%swap3A_33, %swap3A_34], %broadcast_in_dim3A_32 {strides = array<i32>} : memref<800x64xf32, #tpu.memory_space<vmem>>, vector<16xf32>,
      %broadcast_in_dim3A_36 = arith.constant 0.000000e+00 : f32
      %broadcast_in_dim3A_37 = vector.broadcast %broadcast_in_dim3A_36 : f32 to vector<16xf32>
      %swap3A_38 = arith.index_cast %scan3A_25 : i32 to index
      %swap3A_39 = arith.constant 32 : index
      %swap3A_40 = tpu.vector_load %arg16[%swap3A_38, %swap3A_39] {strides = array<i32>} : memref<800x64xf32, #tpu.memory_space<vmem>>, vector<16xf32>,
      tpu.vector_store %arg16[%swap3A_38, %swap3A_39], %broadcast_in_dim3A_37 {strides = array<i32>} : memref<800x64xf32, #tpu.memory_space<vmem>>, vector<16xf32>,
      %broadcast_in_dim3A_41 = arith.constant 0.000000e+00 : f32
      %broadcast_in_dim3A_42 = vector.broadcast %broadcast_in_dim3A_41 : f32 to vector<16xf32>
      %swap3A_43 = arith.index_cast %scan3A_25 : i32 to index
      %swap3A_44 = arith.constant 48 : index
      %swap3A_45 = tpu.vector_load %arg16[%swap3A_43, %swap3A_44] {strides = array<i32>} : memref<800x64xf32, #tpu.memory_space<vmem>>, vector<16xf32>,
      tpu.vector_store %arg16[%swap3A_43, %swap3A_44], %broadcast_in_dim3A_42 {strides = array<i32>} : memref<800x64xf32, #tpu.memory_space<vmem>>, vector<16xf32>,
      %scan3A_46 = arith.constant 0 : i32
      scf.yield %scan3A_46 : i32
    }
    %scan3A_6 = arith.constant 624 : i32
    %mul3A_7 = arith.constant 624 : i32
    %mul3A_8 = arith.muli %arg1, %mul3A_7 : i32
    "tpu.region"() ({
      %run_scoped3A = tpu.sem_alloc : memref<!tpu.dma_semaphore, #tpu.memory_space<semaphore_mem>>
      %dma_start3A = arith.constant 0 : i32
      %dma_start3A_25 = arith.constant 0 : i32
      %dma_start3A_26 = tpu.memref_slice %arg16[%dma_start3A, %dma_start3A_25] : memref<800x64xf32, #tpu.memory_space<vmem>> -> memref<624x64xf32, #tpu.memory_space<vmem>>
      %dma_start3A_27 = arith.constant 0 : i32
      %dma_start3A_28 = tpu.memref_slice %arg17[%mul3A_8, %dma_start3A_27] : memref<10000x64xf32, #tpu.memory_space<vmem_shared>> -> memref<624x64xf32, #tpu.memory_space<vmem_shared>>
      %dma_start3A_29 = arith.constant 0 : i32
      %dma_start3A_30 = tpu.memref_slice %arg17[%mul3A_8, %dma_start3A_29] : memref<10000x64xf32, #tpu.memory_space<vmem_shared>> -> memref<624x64xf32, #tpu.memory_space<vmem_shared>>
      %dma_start3A_31 = arith.constant 0 : i32
      %dma_start3A_32 = arith.constant 0 : i32
      %dma_start3A_33 = tpu.memref_slice %arg16[%dma_start3A_31, %dma_start3A_32] : memref<800x64xf32, #tpu.memory_space<vmem>> -> memref<624x64xf32, #tpu.memory_space<vmem>>
      tpu.enqueue_dma source(%dma_start3A_33 : memref<624x64xf32, #tpu.memory_space<vmem>>) target(%dma_start3A_30 : memref<624x64xf32, #tpu.memory_space<vmem_shared>>) target_semaphore(%run_scoped3A : memref<!tpu.dma_semaphore, #tpu.memory_space<semaphore_mem>>)
      %dma_wait3A = arith.constant 0 : i32
      %dma_wait3A_34 = arith.constant 0 : i32
      %dma_wait3A_35 = tpu.memref_slice %arg16[%dma_wait3A, %dma_wait3A_34] : memref<800x64xf32, #tpu.memory_space<vmem>> -> memref<624x64xf32, #tpu.memory_space<vmem>>
      %dma_wait3A_36 = arith.constant 0 : i32
      %dma_wait3A_37 = tpu.memref_slice %arg17[%mul3A_8, %dma_wait3A_36] : memref<10000x64xf32, #tpu.memory_space<vmem_shared>> -> memref<624x64xf32, #tpu.memory_space<vmem_shared>>
      %dma_wait3A_38 = arith.constant 0 : i32
      %dma_wait3A_39 = tpu.memref_slice %arg17[%mul3A_8, %dma_wait3A_38] : memref<10000x64xf32, #tpu.memory_space<vmem_shared>> -> memref<624x64xf32, #tpu.memory_space<vmem_shared>>
      %dma_wait3A_40 = arith.constant 0 : i32
      %dma_wait3A_41 = arith.constant 0 : i32
      %dma_wait3A_42 = tpu.memref_slice %arg16[%dma_wait3A_40, %dma_wait3A_41] : memref<800x64xf32, #tpu.memory_space<vmem>> -> memref<624x64xf32, #tpu.memory_space<vmem>>
      tpu.wait_dma2 semaphore(%run_scoped3A : memref<!tpu.dma_semaphore, #tpu.memory_space<semaphore_mem>>) src(%dma_wait3A_42 : memref<624x64xf32, #tpu.memory_space<vmem>>) dst(%dma_wait3A_39 : memref<624x64xf32, #tpu.memory_space<vmem_shared>>)
      tpu.yield
    }) : () -> ()
    %eq3A = arith.constant 15 : i32
    %eq3A_9 = arith.cmpi eq, %arg1, %eq3A : i32
    %convert_element_type3A = arith.extui %eq3A_9 : i1 to i32
    %cond3A = arith.constant 0 : i32
    %cond3A_10 = arith.cmpi ne, %convert_element_type3A, %cond3A : i32
    scf.if %cond3A_10 {
      "tpu.region"() ({
        %run_scoped3A = tpu.sem_alloc : memref<!tpu.dma_semaphore, #tpu.memory_space<semaphore_mem>>
        %dma_start3A = arith.constant 0 : i32
        %dma_start3A_25 = arith.constant 0 : i32
        %dma_start3A_26 = tpu.memref_slice %arg16[%dma_start3A, %dma_start3A_25] : memref<800x64xf32, #tpu.memory_space<vmem>> -> memref<16x64xf32, #tpu.memory_space<vmem>>
        %dma_start3A_27 = arith.constant 9984 : i32
        %dma_start3A_28 = arith.constant 0 : i32
        %dma_start3A_29 = tpu.memref_slice %arg17[%dma_start3A_27, %dma_start3A_28] : memref<10000x64xf32, #tpu.memory_space<vmem_shared>> -> memref<16x64xf32, #tpu.memory_space<vmem_shared>>
        %dma_start3A_30 = arith.constant 9984 : i32
        %dma_start3A_31 = arith.constant 0 : i32
        %dma_start3A_32 = tpu.memref_slice %arg17[%dma_start3A_30, %dma_start3A_31] : memref<10000x64xf32, #tpu.memory_space<vmem_shared>> -> memref<16x64xf32, #tpu.memory_space<vmem_shared>>
        %dma_start3A_33 = arith.constant 0 : i32
        %dma_start3A_34 = arith.constant 0 : i32
        %dma_start3A_35 = tpu.memref_slice %arg16[%dma_start3A_33, %dma_start3A_34] : memref<800x64xf32, #tpu.memory_space<vmem>> -> memref<16x64xf32, #tpu.memory_space<vmem>>
        tpu.enqueue_dma source(%dma_start3A_35 : memref<16x64xf32, #tpu.memory_space<vmem>>) target(%dma_start3A_32 : memref<16x64xf32, #tpu.memory_space<vmem_shared>>) target_semaphore(%run_scoped3A : memref<!tpu.dma_semaphore, #tpu.memory_space<semaphore_mem>>)
        %dma_wait3A = arith.constant 0 : i32
        %dma_wait3A_36 = arith.constant 0 : i32
        %dma_wait3A_37 = tpu.memref_slice %arg16[%dma_wait3A, %dma_wait3A_36] : memref<800x64xf32, #tpu.memory_space<vmem>> -> memref<16x64xf32, #tpu.memory_space<vmem>>
        %dma_wait3A_38 = arith.constant 9984 : i32
        %dma_wait3A_39 = arith.constant 0 : i32
        %dma_wait3A_40 = tpu.memref_slice %arg17[%dma_wait3A_38, %dma_wait3A_39] : memref<10000x64xf32, #tpu.memory_space<vmem_shared>> -> memref<16x64xf32, #tpu.memory_space<vmem_shared>>
        %dma_wait3A_41 = arith.constant 9984 : i32
        %dma_wait3A_42 = arith.constant 0 : i32
        %dma_wait3A_43 = tpu.memref_slice %arg17[%dma_wait3A_41, %dma_wait3A_42] : memref<10000x64xf32, #tpu.memory_space<vmem_shared>> -> memref<16x64xf32, #tpu.memory_space<vmem_shared>>
        %dma_wait3A_44 = arith.constant 0 : i32
        %dma_wait3A_45 = arith.constant 0 : i32
        %dma_wait3A_46 = tpu.memref_slice %arg16[%dma_wait3A_44, %dma_wait3A_45] : memref<800x64xf32, #tpu.memory_space<vmem>> -> memref<16x64xf32, #tpu.memory_space<vmem>>
        tpu.wait_dma2 semaphore(%run_scoped3A : memref<!tpu.dma_semaphore, #tpu.memory_space<semaphore_mem>>) src(%dma_wait3A_46 : memref<16x64xf32, #tpu.memory_space<vmem>>) dst(%dma_wait3A_43 : memref<16x64xf32, #tpu.memory_space<vmem_shared>>)
        tpu.yield
      }) : () -> ()
    } else {
    }
    %barrier3A = arith.constant 0 : index
    tpu.barrier barrier_id(%barrier3A)
    %broadcast_in_dim3A = arith.constant 0 : i32
    %broadcast_in_dim3A_11 = vector.broadcast %broadcast_in_dim3A : i32 to vector<16xi32>
    %scan3A_12 = arith.constant 0 : i32
    %scan3A_13 = arith.constant 0 : i32
    %scan3A_14 = arith.constant 25 : i32
    %scan3A_15 = arith.addi %scan3A_13, %scan3A_14 : i32
    %scan3A_16 = arith.constant 1 : i32
    %scan3A_17 = scf.for %scan3A_25 = %scan3A_13 to %scan3A_15 step %scan3A_16 iter_args(%scan3A_26 = %scan3A_12) -> (i32)  : i32 {
      %mul3A_27 = arith.constant 800 : i32
      %mul3A_28 = arith.muli %scan3A_25, %mul3A_27 : i32
      %add3A = arith.addi %mul3A_0, %mul3A_28 : i32
      "tpu.region"() ({
        %run_scoped3A = tpu.sem_alloc : memref<!tpu.dma_semaphore, #tpu.memory_space<semaphore_mem>>
        %dma_start3A = tpu.memref_slice %arg2[%add3A] : memref<320000xi32, #tpu.memory_space<hbm>> -> memref<800xi32, #tpu.memory_space<hbm>>
        %dma_start3A_56 = tpu.memref_slice %arg2[%add3A] : memref<320000xi32, #tpu.memory_space<hbm>> -> memref<800xi32, #tpu.memory_space<hbm>>
        tpu.enqueue_dma source(%dma_start3A_56 : memref<800xi32, #tpu.memory_space<hbm>>) target(%arg13 : memref<800xi32, #tpu.memory_space<vmem>>) target_semaphore(%run_scoped3A : memref<!tpu.dma_semaphore, #tpu.memory_space<semaphore_mem>>)
        %dma_wait3A_57 = tpu.memref_slice %arg2[%add3A] : memref<320000xi32, #tpu.memory_space<hbm>> -> memref<800xi32, #tpu.memory_space<hbm>>
        %dma_wait3A_58 = tpu.memref_slice %arg2[%add3A] : memref<320000xi32, #tpu.memory_space<hbm>> -> memref<800xi32, #tpu.memory_space<hbm>>
        tpu.wait_dma2 semaphore(%run_scoped3A : memref<!tpu.dma_semaphore, #tpu.memory_space<semaphore_mem>>) src(%dma_wait3A_58 : memref<800xi32, #tpu.memory_space<hbm>>) dst(%arg13 : memref<800xi32, #tpu.memory_space<vmem>>)
        tpu.yield
      }) : () -> ()
      "tpu.region"() ({
        %run_scoped3A = tpu.sem_alloc : memref<!tpu.dma_semaphore, #tpu.memory_space<semaphore_mem>>
        %dma_start3A = tpu.memref_slice %arg3[%add3A] : memref<320000xi32, #tpu.memory_space<hbm>> -> memref<800xi32, #tpu.memory_space<hbm>>
        %dma_start3A_56 = tpu.memref_slice %arg3[%add3A] : memref<320000xi32, #tpu.memory_space<hbm>> -> memref<800xi32, #tpu.memory_space<hbm>>
        tpu.enqueue_dma source(%dma_start3A_56 : memref<800xi32, #tpu.memory_space<hbm>>) target(%arg14 : memref<800xi32, #tpu.memory_space<vmem>>) target_semaphore(%run_scoped3A : memref<!tpu.dma_semaphore, #tpu.memory_space<semaphore_mem>>)
        %dma_wait3A_57 = tpu.memref_slice %arg3[%add3A] : memref<320000xi32, #tpu.memory_space<hbm>> -> memref<800xi32, #tpu.memory_space<hbm>>
        %dma_wait3A_58 = tpu.memref_slice %arg3[%add3A] : memref<320000xi32, #tpu.memory_space<hbm>> -> memref<800xi32, #tpu.memory_space<hbm>>
        tpu.wait_dma2 semaphore(%run_scoped3A : memref<!tpu.dma_semaphore, #tpu.memory_space<semaphore_mem>>) src(%dma_wait3A_58 : memref<800xi32, #tpu.memory_space<hbm>>) dst(%arg14 : memref<800xi32, #tpu.memory_space<vmem>>)
        tpu.yield
      }) : () -> ()
      %eq3A_29 = arith.constant 0 : i32
      %eq3A_30 = arith.cmpi eq, %arg0, %eq3A_29 : i32
      %convert_element_type3A_31 = arith.extui %eq3A_30 : i1 to i32
      %cond3A_32 = arith.constant 0 : i32
      %cond3A_33 = arith.cmpi ne, %convert_element_type3A_31, %cond3A_32 : i32
      scf.if %cond3A_33 {
        %dma_start3A = arith.constant 0 : i32
        %dma_start3A_56 = arith.constant 0 : i32
        %dma_start3A_57 = tpu.memref_slice %arg7[%dma_start3A, %dma_start3A_56] : memref<10000x64xf32, #tpu.memory_space<hbm>> -> memref<10000x64xf32, #tpu.memory_space<hbm>>
        tpu.enqueue_indirect_dma source(%dma_start3A_57 : memref<10000x64xf32, #tpu.memory_space<hbm>>) target(%arg16 : memref<800x64xf32, #tpu.memory_space<vmem>>) offsets(%arg13 : memref<800xi32, #tpu.memory_space<vmem>>) semaphore(%arg18 : memref<!tpu.dma_semaphore, #tpu.memory_space<semaphore_mem>>)
      } else {
      }
      %eq3A_34 = arith.constant 1 : i32
      %eq3A_35 = arith.cmpi eq, %arg0, %eq3A_34 : i32
      %convert_element_type3A_36 = arith.extui %eq3A_35 : i1 to i32
      %cond3A_37 = arith.constant 0 : i32
      %cond3A_38 = arith.cmpi ne, %convert_element_type3A_36, %cond3A_37 : i32
      scf.if %cond3A_38 {
        %dma_start3A = arith.constant 0 : i32
        %dma_start3A_56 = arith.constant 0 : i32
        %dma_start3A_57 = tpu.memref_slice %arg8[%dma_start3A, %dma_start3A_56] : memref<10000x64xf32, #tpu.memory_space<hbm>> -> memref<10000x64xf32, #tpu.memory_space<hbm>>
        tpu.enqueue_indirect_dma source(%dma_start3A_57 : memref<10000x64xf32, #tpu.memory_space<hbm>>) target(%arg16 : memref<800x64xf32, #tpu.memory_space<vmem>>) offsets(%arg13 : memref<800xi32, #tpu.memory_space<vmem>>) semaphore(%arg18 : memref<!tpu.dma_semaphore, #tpu.memory_space<semaphore_mem>>)
      } else {
      }
      %scan3A_39 = arith.constant 0 : i32
      %scan3A_40 = arith.constant 0 : i32
      %scan3A_41 = arith.constant 50 : i32
      %scan3A_42 = arith.addi %scan3A_40, %scan3A_41 : i32
      %scan3A_43 = arith.constant 1 : i32
      %scan3A_44 = scf.for %scan3A_56 = %scan3A_40 to %scan3A_42 step %scan3A_43 iter_args(%scan3A_57 = %scan3A_39) -> (i32)  : i32 {
        %mul3A_58 = arith.constant 16 : i32
        %mul3A_59 = arith.muli %scan3A_56, %mul3A_58 : i32
        %get3A = arith.index_cast %mul3A_59 : i32 to index
        %get3A_60 = tpu.vector_load %arg13[%get3A] {strides = array<i32>} : memref<800xi32, #tpu.memory_space<vmem>>, vector<16xi32>,
        %mul3A_61 = arith.constant 16 : i32
        %mul3A_62 = arith.muli %scan3A_56, %mul3A_61 : i32
        %get3A_63 = arith.index_cast %mul3A_62 : i32 to index
        %get3A_64 = tpu.vector_load %arg14[%get3A_63] {strides = array<i32>} : memref<800xi32, #tpu.memory_space<vmem>>, vector<16xi32>,
        %gather3A = tpu.vector_load_idx %arg10[%get3A_64] : memref<10000xf32, #tpu.memory_space<vmem>>[vector<16xi32>], vector<16xf32>,
        %gather3A_65 = tpu.vector_load_idx %arg11[%get3A_60] : memref<10000xf32, #tpu.memory_space<vmem>>[vector<16xi32>], vector<16xf32>,
        %gather3A_66 = tpu.vector_load_idx %arg12[%get3A_64] : memref<10000xf32, #tpu.memory_space<vmem>>[vector<16xi32>], vector<16xf32>,
        %gather3A_67 = tpu.vector_load_idx %arg12[%get3A_60] : memref<10000xf32, #tpu.memory_space<vmem>>[vector<16xi32>], vector<16xf32>,
        %add3A_68 = arith.addf %gather3A, %gather3A_65 : vector<16xf32>
        %mul3A_69 = arith.constant 2.000000e+00 : f32
        %mul3A_70 = vector.broadcast %mul3A_69 : f32 to vector<16xf32>
        %mul3A_71 = arith.mulf %mul3A_70, %add3A_68 : vector<16xf32>
        %exp3A = math.exp %mul3A_71 : vector<16xf32>
        %add3A_72 = arith.constant 1.000000e+00 : f32
        %add3A_73 = vector.broadcast %add3A_72 : f32 to vector<16xf32>
        %add3A_74 = arith.addf %exp3A, %add3A_73 : vector<16xf32>
        %div3A = arith.constant 2.000000e+00 : f32
        %div3A_75 = vector.broadcast %div3A : f32 to vector<16xf32>
        %div3A_76 = arith.divf %div3A_75, %add3A_74 : vector<16xf32>
        %sub3A = arith.constant 1.000000e+00 : f32
        %sub3A_77 = vector.broadcast %sub3A : f32 to vector<16xf32>
        %sub3A_78 = arith.subf %sub3A_77, %div3A_76 : vector<16xf32>
        %mul3A_79 = arith.mulf %sub3A_78, %gather3A_66 : vector<16xf32>
        %mul3A_80 = arith.mulf %mul3A_79, %gather3A_67 : vector<16xf32>
        %mul3A_81 = arith.constant 16 : i32
        %mul3A_82 = arith.muli %scan3A_56, %mul3A_81 : i32
        %swap3A = arith.index_cast %mul3A_82 : i32 to index
        %swap3A_83 = tpu.vector_load %arg15[%swap3A] {strides = array<i32>} : memref<800xf32, #tpu.memory_space<vmem>>, vector<16xf32>,
        tpu.vector_store %arg15[%swap3A], %mul3A_80 {strides = array<i32>} : memref<800xf32, #tpu.memory_space<vmem>>, vector<16xf32>,
        %scan3A_84 = arith.constant 0 : i32
        scf.yield %scan3A_84 : i32
      }
      %scan3A_45 = arith.constant 50 : i32
      %dma_wait3A = arith.constant 0 : i32
      %dma_wait3A_46 = arith.constant 0 : i32
      %dma_wait3A_47 = tpu.memref_slice %arg7[%dma_wait3A, %dma_wait3A_46] : memref<10000x64xf32, #tpu.memory_space<hbm>> -> memref<10000x64xf32, #tpu.memory_space<hbm>>
      tpu.wait_indirect_dma semaphore(%arg18 : memref<!tpu.dma_semaphore, #tpu.memory_space<semaphore_mem>>) src(%dma_wait3A_47 : memref<10000x64xf32, #tpu.memory_space<hbm>>) dst(%arg16 : memref<800x64xf32, #tpu.memory_space<vmem>>)
      %scan3A_48 = arith.constant 0 : i32
      %scan3A_49 = arith.constant 0 : i32
      %scan3A_50 = arith.constant 800 : i32
      %scan3A_51 = arith.addi %scan3A_49, %scan3A_50 : i32
      %scan3A_52 = arith.constant 1 : i32
      %scan3A_53 = scf.for %scan3A_56 = %scan3A_49 to %scan3A_51 step %scan3A_52 iter_args(%scan3A_57 = %scan3A_48) -> (i32)  : i32 {
        %add3A_58 = vector.broadcast %scan3A_56 : i32 to vector<16xi32>
        %add3A_59 = arith.addi %broadcast_in_dim3A_11, %add3A_58 : vector<16xi32>
        %gather3A = tpu.vector_load_idx %arg15[%add3A_59] : memref<800xf32, #tpu.memory_space<vmem>>[vector<16xi32>], vector<16xf32>,
        %get3A = arith.index_cast %scan3A_56 : i32 to index
        %get3A_60 = arith.constant 0 : index
        %get3A_61 = tpu.vector_load %arg16[%get3A, %get3A_60] {strides = array<i32>} : memref<800x64xf32, #tpu.memory_space<vmem>>, vector<16xf32>,
        %mul3A_62 = arith.mulf %get3A_61, %gather3A : vector<16xf32>
        %swap3A = arith.index_cast %scan3A_56 : i32 to index
        %swap3A_63 = arith.constant 0 : index
        %swap3A_64 = tpu.vector_load %arg16[%swap3A, %swap3A_63] {strides = array<i32>} : memref<800x64xf32, #tpu.memory_space<vmem>>, vector<16xf32>,
        tpu.vector_store %arg16[%swap3A, %swap3A_63], %mul3A_62 {strides = array<i32>} : memref<800x64xf32, #tpu.memory_space<vmem>>, vector<16xf32>,
        %get3A_65 = arith.index_cast %scan3A_56 : i32 to index
        %get3A_66 = arith.constant 16 : index
        %get3A_67 = tpu.vector_load %arg16[%get3A_65, %get3A_66] {strides = array<i32>} : memref<800x64xf32, #tpu.memory_space<vmem>>, vector<16xf32>,
        %mul3A_68 = arith.mulf %get3A_67, %gather3A : vector<16xf32>
        %swap3A_69 = arith.index_cast %scan3A_56 : i32 to index
        %swap3A_70 = arith.constant 16 : index
        %swap3A_71 = tpu.vector_load %arg16[%swap3A_69, %swap3A_70] {strides = array<i32>} : memref<800x64xf32, #tpu.memory_space<vmem>>, vector<16xf32>,
        tpu.vector_store %arg16[%swap3A_69, %swap3A_70], %mul3A_68 {strides = array<i32>} : memref<800x64xf32, #tpu.memory_space<vmem>>, vector<16xf32>,
        %get3A_72 = arith.index_cast %scan3A_56 : i32 to index
        %get3A_73 = arith.constant 32 : index
        %get3A_74 = tpu.vector_load %arg16[%get3A_72, %get3A_73] {strides = array<i32>} : memref<800x64xf32, #tpu.memory_space<vmem>>, vector<16xf32>,
        %mul3A_75 = arith.mulf %get3A_74, %gather3A : vector<16xf32>
        %swap3A_76 = arith.index_cast %scan3A_56 : i32 to index
        %swap3A_77 = arith.constant 32 : index
        %swap3A_78 = tpu.vector_load %arg16[%swap3A_76, %swap3A_77] {strides = array<i32>} : memref<800x64xf32, #tpu.memory_space<vmem>>, vector<16xf32>,
        tpu.vector_store %arg16[%swap3A_76, %swap3A_77], %mul3A_75 {strides = array<i32>} : memref<800x64xf32, #tpu.memory_space<vmem>>, vector<16xf32>,
        %get3A_79 = arith.index_cast %scan3A_56 : i32 to index
        %get3A_80 = arith.constant 48 : index
        %get3A_81 = tpu.vector_load %arg16[%get3A_79, %get3A_80] {strides = array<i32>} : memref<800x64xf32, #tpu.memory_space<vmem>>, vector<16xf32>,
        %mul3A_82 = arith.mulf %get3A_81, %gather3A : vector<16xf32>
        %swap3A_83 = arith.index_cast %scan3A_56 : i32 to index
        %swap3A_84 = arith.constant 48 : index
        %swap3A_85 = tpu.vector_load %arg16[%swap3A_83, %swap3A_84] {strides = array<i32>} : memref<800x64xf32, #tpu.memory_space<vmem>>, vector<16xf32>,
        tpu.vector_store %arg16[%swap3A_83, %swap3A_84], %mul3A_82 {strides = array<i32>} : memref<800x64xf32, #tpu.memory_space<vmem>>, vector<16xf32>,
        %scan3A_86 = arith.constant 0 : i32
        scf.yield %scan3A_86 : i32
      }
      %scan3A_54 = arith.constant 800 : i32
      "tpu.region"() ({
        %run_scoped3A = tpu.sem_alloc : memref<!tpu.dma_semaphore, #tpu.memory_space<semaphore_mem>>
        %dma_start3A = arith.constant 0 : i32
        %dma_start3A_56 = arith.constant 0 : i32
        %dma_start3A_57 = tpu.memref_slice %arg16[%dma_start3A, %dma_start3A_56] : memref<800x64xf32, #tpu.memory_space<vmem>> -> memref<800x64xf32, #tpu.memory_space<vmem>>
        %dma_start3A_58 = arith.constant 0 : i32
        %dma_start3A_59 = arith.constant 0 : i32
        %dma_start3A_60 = tpu.memref_slice %arg17[%dma_start3A_58, %dma_start3A_59] : memref<10000x64xf32, #tpu.memory_space<vmem_shared>> -> memref<10000x64xf32, #tpu.memory_space<vmem_shared>>
        tpu.enqueue_indirect_dma source(%dma_start3A_57 : memref<800x64xf32, #tpu.memory_space<vmem>>) target(%dma_start3A_60 : memref<10000x64xf32, #tpu.memory_space<vmem_shared>>) offsets(%arg14 : memref<800xi32, #tpu.memory_space<vmem>>) semaphore(%run_scoped3A : memref<!tpu.dma_semaphore, #tpu.memory_space<semaphore_mem>>) {add = true}
        %dma_wait3A_61 = arith.constant 0 : i32
        %dma_wait3A_62 = arith.constant 0 : i32
        %dma_wait3A_63 = tpu.memref_slice %arg16[%dma_wait3A_61, %dma_wait3A_62] : memref<800x64xf32, #tpu.memory_space<vmem>> -> memref<800x64xf32, #tpu.memory_space<vmem>>
        %dma_wait3A_64 = arith.constant 0 : i32
        %dma_wait3A_65 = arith.constant 0 : i32
        %dma_wait3A_66 = tpu.memref_slice %arg17[%dma_wait3A_64, %dma_wait3A_65] : memref<10000x64xf32, #tpu.memory_space<vmem_shared>> -> memref<10000x64xf32, #tpu.memory_space<vmem_shared>>
        tpu.wait_indirect_dma semaphore(%run_scoped3A : memref<!tpu.dma_semaphore, #tpu.memory_space<semaphore_mem>>) src(%dma_wait3A_63 : memref<800x64xf32, #tpu.memory_space<vmem>>) dst(%dma_wait3A_66 : memref<10000x64xf32, #tpu.memory_space<vmem_shared>>)
        tpu.yield
      }) : () -> ()
      %scan3A_55 = arith.constant 0 : i32
      scf.yield %scan3A_55 : i32
    }
    %scan3A_18 = arith.constant 25 : i32
    %barrier3A_19 = arith.constant 0 : index
    tpu.barrier barrier_id(%barrier3A_19)
    "tpu.region"() ({
      %run_scoped3A = tpu.sem_alloc : memref<!tpu.dma_semaphore, #tpu.memory_space<semaphore_mem>>
      %dma_start3A = arith.constant 0 : i32
      %dma_start3A_25 = tpu.memref_slice %arg9[%arg0, %mul3A_8, %dma_start3A] : memref<2x10000x64xf32, #tpu.memory_space<hbm>> -> memref<1x624x64xf32, #tpu.memory_space<hbm>>
      %dma_start3A_26 = tpu.memref_squeeze %dma_start3A_25 : memref<1x624x64xf32, #tpu.memory_space<hbm>> -> memref<624x64xf32, #tpu.memory_space<hbm>>
      %dma_start3A_27 = arith.constant 0 : i32
      %dma_start3A_28 = tpu.memref_slice %arg17[%mul3A_8, %dma_start3A_27] : memref<10000x64xf32, #tpu.memory_space<vmem_shared>> -> memref<624x64xf32, #tpu.memory_space<vmem_shared>>
      tpu.enqueue_dma source(%dma_start3A_28 : memref<624x64xf32, #tpu.memory_space<vmem_shared>>) target(%dma_start3A_26 : memref<624x64xf32, #tpu.memory_space<hbm>>) target_semaphore(%run_scoped3A : memref<!tpu.dma_semaphore, #tpu.memory_space<semaphore_mem>>)
      %dma_wait3A = arith.constant 0 : i32
      %dma_wait3A_29 = tpu.memref_slice %arg9[%arg0, %mul3A_8, %dma_wait3A] : memref<2x10000x64xf32, #tpu.memory_space<hbm>> -> memref<1x624x64xf32, #tpu.memory_space<hbm>>
      %dma_wait3A_30 = tpu.memref_squeeze %dma_wait3A_29 : memref<1x624x64xf32, #tpu.memory_space<hbm>> -> memref<624x64xf32, #tpu.memory_space<hbm>>
      %dma_wait3A_31 = arith.constant 0 : i32
      %dma_wait3A_32 = tpu.memref_slice %arg17[%mul3A_8, %dma_wait3A_31] : memref<10000x64xf32, #tpu.memory_space<vmem_shared>> -> memref<624x64xf32, #tpu.memory_space<vmem_shared>>
      tpu.wait_dma2 semaphore(%run_scoped3A : memref<!tpu.dma_semaphore, #tpu.memory_space<semaphore_mem>>) src(%dma_wait3A_32 : memref<624x64xf32, #tpu.memory_space<vmem_shared>>) dst(%dma_wait3A_30 : memref<624x64xf32, #tpu.memory_space<hbm>>)
      tpu.yield
    }) : () -> ()
    %eq3A_20 = arith.constant 15 : i32
    %eq3A_21 = arith.cmpi eq, %arg1, %eq3A_20 : i32
    %convert_element_type3A_22 = arith.extui %eq3A_21 : i1 to i32
    %cond3A_23 = arith.constant 0 : i32
    %cond3A_24 = arith.cmpi ne, %convert_element_type3A_22, %cond3A_23 : i32
    scf.if %cond3A_24 {
      "tpu.region"() ({
        %run_scoped3A = tpu.sem_alloc : memref<!tpu.dma_semaphore, #tpu.memory_space<semaphore_mem>>
        %dma_start3A = arith.constant 9984 : i32
        %dma_start3A_25 = arith.constant 0 : i32
        %dma_start3A_26 = tpu.memref_slice %arg9[%arg0, %dma_start3A, %dma_start3A_25] : memref<2x10000x64xf32, #tpu.memory_space<hbm>> -> memref<1x16x64xf32, #tpu.memory_space<hbm>>
        %dma_start3A_27 = tpu.memref_squeeze %dma_start3A_26 : memref<1x16x64xf32, #tpu.memory_space<hbm>> -> memref<16x64xf32, #tpu.memory_space<hbm>>
        %dma_start3A_28 = arith.constant 9984 : i32
        %dma_start3A_29 = arith.constant 0 : i32
        %dma_start3A_30 = tpu.memref_slice %arg17[%dma_start3A_28, %dma_start3A_29] : memref<10000x64xf32, #tpu.memory_space<vmem_shared>> -> memref<16x64xf32, #tpu.memory_space<vmem_shared>>
        tpu.enqueue_dma source(%dma_start3A_30 : memref<16x64xf32, #tpu.memory_space<vmem_shared>>) target(%dma_start3A_27 : memref<16x64xf32, #tpu.memory_space<hbm>>) target_semaphore(%run_scoped3A : memref<!tpu.dma_semaphore, #tpu.memory_space<semaphore_mem>>)
        %dma_wait3A = arith.constant 9984 : i32
        %dma_wait3A_31 = arith.constant 0 : i32
        %dma_wait3A_32 = tpu.memref_slice %arg9[%arg0, %dma_wait3A, %dma_wait3A_31] : memref<2x10000x64xf32, #tpu.memory_space<hbm>> -> memref<1x16x64xf32, #tpu.memory_space<hbm>>
        %dma_wait3A_33 = tpu.memref_squeeze %dma_wait3A_32 : memref<1x16x64xf32, #tpu.memory_space<hbm>> -> memref<16x64xf32, #tpu.memory_space<hbm>>
        %dma_wait3A_34 = arith.constant 9984 : i32
        %dma_wait3A_35 = arith.constant 0 : i32
        %dma_wait3A_36 = tpu.memref_slice %arg17[%dma_wait3A_34, %dma_wait3A_35] : memref<10000x64xf32, #tpu.memory_space<vmem_shared>> -> memref<16x64xf32, #tpu.memory_space<vmem_shared>>
        tpu.wait_dma2 semaphore(%run_scoped3A : memref<!tpu.dma_semaphore, #tpu.memory_space<semaphore_mem>>) src(%dma_wait3A_36 : memref<16x64xf32, #tpu.memory_space<vmem_shared>>) dst(%dma_wait3A_33 : memref<16x64xf32, #tpu.memory_space<hbm>>)
        tpu.yield
      }) : () -> ()
    } else {
    }
    return
  }
}

</mosaic_0001>

<sc_bundles>
// kernel: _run.3.cloned.1.call-start
scs
__scs_entry_jumppad:
0x0: {  	(pc) =	sbr.rel $0x88, $3  }
0x1: {  	(tag) =	ssettag $0x0;
	lr =	simm.s32 $0x1  }
0x2: {  	[smem:$0x3F9D] =	sst lr;
	_ =	strace $0xD0000000  }
0x3: {  	_ = 	snop  }
0x4: {  	_ = 	snop  }
0x5: {  	_ = 	snop  }
0x6: {  	_ = 	snop  }
0x7: {  	_ = 	snop  }
__scs_overlays_trampoline_lowered:
0x8: {  	[smem:$0x3FAC] =	sst s0  }
0x9: {  	[smem:$0x3FAD] =	sst s1  }
0xa: {  	[smem:$0x3FAE] =	sst s2  }
0xb: {  	[smem:$0x3FAF] =	sst s3  }
0xc: {  	[smem:$0x3FB0] =	sst s4  }
0xd: {  	[smem:$0x3FB1] =	sst s5  }
0xe: {  	[smem:$0x3FB2] =	sst s6  }
0xf: {  	[smem:$0x3FB3] =	sst s7  }
0x10: {  	[smem:$0x3FB4] =	sst s8  }
0x11: {  	[smem:$0x3FB5] =	sst s9;
	s0 =	simm.s32 @!p0 $0x0  }
0x12: {  	s1 =	sld [smem:$0x3F9B];
	s0 =	simm.s32 @p0 $0x1  }
0x13: {  	[smem:$0x3FB6] =	sst s0;
	s0 =	simm.s32 @!p1 $0x0  }
0x14: {  	s2 =	sld [smem:$0x3F9A];
	s0 =	simm.s32 @p1 $0x1  }
0x15: {  	[smem:$0x3FB7] =	sst s0;
	s0 =	simm.s32 @!p2 $0x0  }
0x16: {  	s3 =	sld [smem:$0x3FDB];
	s0 =	simm.s32 @p2 $0x1  }
0x17: {  	s4 =	simm.s32 $0x1BF5;
	[smem:$0x3FB9] =	sst s0  }
0x18: {  	s0 =	sld [smem:$0x3F9C];
	_ =	swait.ge [sflag:s4], $0x0  }
0x19: {  	s7 =	sld [smem:$0x3F9D]  }
0x1a: {  	s8 =	sadd.s32 $0xFFFFE003, lr  }
0x1b: {  	s9 =	sadd.s32 $0xFFFFFEF7, lr;
	s5 =	simm.s32 $0xFFFFFFFF;
	p2 =	slt.u32 s8, $0xFFFFF086  }
0x1c: {  	p1 =	slt.u32 s9, $0xF7A;
	s5 =	simm.s32 @!p2 $0x0  }
0x1d: {  	s5 =	simm.s32 @p1 $0x1;
	p0 =	seq.s32 s7, s2  }
0x1e: {  	s7 =	smul.u32 @!p0 $0xF7A, s2;
	p2 =	seq.s32 @!p0 s5, $0x0  }
0x1f: {  	s9 =	smul.u32 $0xF7A, s1;
	s8 =	simm.s32 @!p0 $0x1BF5;
	p2 =	por !p2, p0  }
0x20: {  	[sflag:s8] =	ssyncset.s32 @!p0 $0xFFFFF086;
	s6 =	sadd.s32 @!p0 s3, s7;
	s7 =	simm.s32 @!p0 $0x108  }
0x21: {  	s3 =	sadd.s32 s3, s9;
	s6 =	sadd.s32 @!p0 $0x88, s6;
	s7 =	simm.s32 @p2 $0x1082  }
0x22: {  	[simem:s7], [sflag:s8] =	dma.local @!p0 [hbm:s6], $0xF7A  }
0x23: {  	s9 =	sor.u32 $0xD0000000, s2;
	s6 =	simm.s32 $0x108;
	_ =	swait.ge @!p0 [sflag:s8], $0x0  }
0x24: {  	s3 =	sadd.s32 $0x88, s3;
	s6 =	simm.s32 @!p1 $0x1082;
	[sflag:s4] =	ssyncset.s32 $0xFFFFF086  }
0x25: {  	[simem:s6], [sflag:s4] =	dma.local [hbm:s3], $0xF7A  }
0x26: {  	[smem:$0x3F9D] =	sst s1;
	(tag) =	ssettag s2;
	_ =	strace s9  }
0x27: {  	s1 =	sld [smem:$0x3FAD]  }
0x28: {  	s2 =	sld [smem:$0x3FAE]  }
0x29: {  	s4 =	sld [smem:$0x3FB0]  }
0x2a: {  	p0 =	seq.s32 s5, $0x0;
	s5 =	sld [smem:$0x3FB1]  }
0x2b: {  	s6 =	sld [smem:$0x3FB2]  }
0x2c: {  	s7 =	sld [smem:$0x3FB3]  }
0x2d: {  	s3 =	simm.s32 $0x108;
	s8 =	sld [smem:$0x3FB4]  }
0x2e: {  	s3 =	simm.s32 @!p0 $0x1082;
	s9 =	sld [smem:$0x3FB5]  }
0x2f: {  	lr =	sadd.s32 s0, s3;
	s0 =	sld [smem:$0x3FAC]  }
0x30: {  	s3 =	sld [smem:$0x3FAF]  }
0x31: {  	[smem:$0x3FB8] =	sst s10  }
0x32: {  	s10 =	sld [smem:$0x3FB6];
	_ =	sdelay $0x3  }
0x33: {  	p0 =	seq.s32 s10, $0x1;
	s10 =	sld [smem:$0x3FB8];
	_ =	sdelay $0x3  }
0x34: {  	[smem:$0x3FB8] =	sst s10  }
0x35: {  	s10 =	sld [smem:$0x3FB7];
	_ =	sdelay $0x3  }
0x36: {  	p1 =	seq.s32 s10, $0x1;
	s10 =	sld [smem:$0x3FB8];
	_ =	sdelay $0x3  }
0x37: {  	[smem:$0x3FB8] =	sst s10  }
0x38: {  	s10 =	sld [smem:$0x3FB9]  }
0x39: {  	_ = 	snop;
	(pc) =	sbr.ind lr, $3  }
0x3a: {  	_ = 	snop  }
0x3b: {  	_ = 	snop  }
0x3c: {  	p2 =	seq.s32 s10, $0x1;
	s10 =	sld [smem:$0x3FB8]  }
0x3d: {  	_ =	shalt  }
0x3e: {  	_ =	shalt  }
0x3f: {  	_ =	shalt  }
0x40: {  	_ =	shalt  }
0x41: {  	_ =	shalt  }
0x42: {  	_ =	shalt  }
0x43: {  	_ =	shalt  }
0x44: {  	_ =	shalt  }
0x45: {  	_ =	shalt  }
0x46: {  	_ =	shalt  }
0x47: {  	_ =	shalt  }
0x48: {  	_ =	shalt  }
0x49: {  	_ =	shalt  }
0x4a: {  	_ =	shalt  }
0x4b: {  	_ =	shalt  }
0x4c: {  	_ =	shalt  }
0x4d: {  	_ =	shalt  }
0x4e: {  	_ =	shalt  }
0x4f: {  	_ =	shalt  }
0x50: {  	_ =	shalt  }
0x51: {  	_ =	shalt  }
0x52: {  	_ =	shalt  }
0x53: {  	_ =	shalt  }
0x54: {  	_ =	shalt  }
0x55: {  	_ =	shalt  }
0x56: {  	_ =	shalt  }
0x57: {  	_ =	shalt  }
0x58: {  	_ =	shalt  }
0x59: {  	_ =	shalt  }
0x5a: {  	_ =	shalt  }
0x5b: {  	_ =	shalt  }
0x5c: {  	_ =	shalt  }
0x5d: {  	_ =	shalt  }
0x5e: {  	_ =	shalt  }
0x5f: {  	_ =	shalt  }
0x60: {  	_ =	shalt  }
0x61: {  	_ =	shalt  }
0x62: {  	_ =	shalt  }
0x63: {  	_ =	shalt  }
0x64: {  	_ =	shalt  }
0x65: {  	_ =	shalt  }
0x66: {  	_ =	shalt  }
0x67: {  	_ =	shalt  }
0x68: {  	_ =	shalt  }
0x69: {  	_ =	shalt  }
0x6a: {  	_ =	shalt  }
0x6b: {  	_ =	shalt  }
0x6c: {  	_ =	shalt  }
0x6d: {  	_ =	shalt  }
0x6e: {  	_ =	shalt  }
0x6f: {  	_ =	shalt  }
0x70: {  	_ =	shalt  }
0x71: {  	_ =	shalt  }
0x72: {  	_ =	shalt  }
0x73: {  	_ =	shalt  }
0x74: {  	_ =	shalt  }
0x75: {  	_ =	shalt  }
0x76: {  	_ =	shalt  }
0x77: {  	_ =	shalt  }
0x78: {  	_ =	shalt  }
0x79: {  	_ =	shalt  }
0x7a: {  	_ =	shalt  }
0x7b: {  	_ =	shalt  }
0x7c: {  	_ =	shalt  }
0x7d: {  	_ =	shalt  }
0x7e: {  	_ =	shalt  }
0x7f: {  	_ =	shalt  }
0x80: {  	_ =	shalt  }
0x81: {  	_ =	shalt  }
0x82: {  	_ =	shalt  }
0x83: {  	_ =	shalt  }
0x84: {  	_ =	shalt  }
0x85: {  	_ =	shalt  }
0x86: {  	_ =	shalt  }
0x87: {  	_ =	shalt  }
.Lfunc_end0:
.L_simem_size_0:
called_computation_lowered:
.L_overlay_start_0:
0x88: {  	s2 =	sld [smem:$0x3FD9]  }
0x89: {  	s3 =	sld [smem:$0x3FFE];
	_ =	sdelay $0x1  }
0x8a: {  	s1 =	srdreg.scid  }
0x8b: {  	s0 =	sand.u32 $0x1, s1  }
0x8c: {  	s17 =	sshll.u32 s0, $0xA;
	s2 =	sadd.s32 s3, s2  }
0x8d: {  	s2 =	sadd.s32 s2, s17  }
0x8e: {  	[smem:$0x3FC4] =	sst s2  }
0x8f: {  	_ = 	snop  }
0x90: {  	s2 =	sld [smem:$0x3FC7]  }
0x91: {  	s18 =	sld [smem:$0x3FD0];
	(tm) =	ssettm $0x1  }
0x92: {  	s4 =	sld [smem:$0x3FFB];
	_ =	sdelay $0x3  }
0x93: {  	_ =	strace s4  }
0x94: {  	s4 =	sld [smem:$0x3FFC];
	_ =	sdelay $0x3  }
0x95: {  	_ =	strace s4  }
0x96: {  	s4 =	sld [smem:$0x3FFD];
	_ =	sdelay $0x3  }
0x97: {  	_ =	strace s4  }
0x98: {  	_ =	strace $0x8FFFFFFF  }
0x99: {  	s19 =	sld [smem:$0x3FDB];
	_ =	sdelay $0x1  }
0x9a: {  	s5 =	simm.s32 $_scs_section_size  }
0x9b: {  	s6 =	simm.s32 $_size__tile_overlayer_lowered;
	s7 =	simm.s32 $_tile_overlayer_lowered  }
0x9c: {  	s22 =	simm.s32 $0x1BFF;
	s21 =	sshll.u32 s7, $0x1;
	s4 =	sadd.s32 s5, s19  }
0x9d: {  	s8 =	simm.s32 $0x0;
	s20 =	sshll.u32 s6, $0x1;
	s6 =	sadd.s32 s21, s4  }
0x9e: {  	[timem:s8], [sflag:s22] =	dma.local [hbm:s6], s20  }
0x9f: {  	_ =	swait.ge [sflag:s22], s20  }
0xa0: {  	s5 =	ssub.s32 $0x0, s20;
	[sflag:s22] =	ssyncset.done $0x0  }
0xa1: {  	[sflag:s22] =	ssyncadd.s32 s5;
	_ =	sdelay $0x1  }
0xa2: {  	s23 =	simm.s32 $0x1B8B  }
0xa3: {  	_ =	swait.ge [sflag:s23], $0x1  }
0xa4: {  	[sflag:s23] =	ssyncset.done $0x0  }
0xa5: {  	s25 =	simm.s32 $0x1B8E;
	s24 =	sld [smem:$0x3FFE];
	[sflag:s23] =	ssyncadd.s32 $0xFFFFFFFF  }
0xa6: {  	s26 =	simm.s32 $execute0_lowered;
	[smem:$0x3FD2] =	sst s25  }
0xa7: {  	s6 =	sshll.u32 s26, $0x1;
	_ =	strace $0x80000046;
	[dreg:$0x1] =	wrdreg $0xFFFFFFFF  }
0xa8: {  	s28 =	simm.s32 $_size_execute0_lowered;
	s4 =	sadd.s32 s4, s6;
	[dreg:$0x0] =	wrdreg $0x0  }
0xa9: {  	s6 =	sshll.u32 s28, $0x1;
	[dreg:$0x2] =	wrdreg s4  }
0xaa: {  	[dreg:$0x3] =	wrdreg s6  }
0xab: {  	[dreg:$0x4] =	wrdreg $0xC0  }
0xac: {  	_ =	task [dreg:s8], $0x5FFFF  }
0xad: {  	[dreg:$0x1] =	wrdreg $0xFFFFFFFF  }
0xae: {  	[dreg:$0x0] =	wrdreg $0x60  }
0xaf: {  	[dreg:$0x2] =	wrdreg s24  }
0xb0: {  	[dreg:$0x3] =	wrdreg s2  }
0xb1: {  	[dreg:$0x4] =	wrdreg s18  }
0xb2: {  	[dreg:$0x5] =	wrdreg $0x146900  }
0xb3: {  	[dreg:$0x6] =	wrdreg $0x9  }
0xb4: {  	_ =	task.clear_ibuf [dreg:s8], $0x7FFFF;
	_ =	strace $0x90000046  }
0xb5: {  	s29 =	simm.s32 $0x9;
	_ =	strace $0x80000048  }
0xb6: {  	_ =	swait.ge [sflag:s29], $0x1  }
0xb7: {  	[sflag:s29] =	ssyncadd.s32 $0xFFFFFFFF  }
0xb8: {  	_ =	strace $0x90000048  }
0xb9: {  	_ =	sfence  }
0xba: {  	s30 =	sld [smem:$0x0];
	_ =	sdelay $0x2  }
0xbb: {  	s31 =	sshll.u32 s1, $0xD;
	s1 =	sshrl.u32 s1, $0x2  }
0xbc: {  	s3 =	sand.u32 $0x4000, s31;
	s1 =	sadd.s32 s1, s30  }
0xbd: {  	s0 =	sor.u32 s3, s0;
	s1 =	sshll.u32 s1, $0x11  }
0xbe: {  	s0 =	sor.u32 s1, s0  }
0xbf: {  	s0 =	sadd.s32 $0x8F2B, s0  }
0xc0: {  	[sflag:s0] =	ssyncadd.remote.s32 $0x1  }
0xc1: {  	_ =	sfence.sel $0xFFFF  }
0xc2: {  	[dreg:$0x0] =	wrdreg $0xFFFFFFFF;
	(pc) =	sbr.abs _section_cstart, $3  }
0xc3: {  	[dreg:$0x1] =	wrdreg $0xFFFFFFFF  }
0xc4: {  	_ =	task.clear_ibuf [dreg:s8], $0x2FFFF;
	_ =	strace $0x9FFFFFFF  }
0xc5: {  	(tm) =	ssettm $0x7FFFFFFF  }
tec
execute0_lowered:
.L_overlay_start_1:
0x0: {  	(tag) =	ssettag $0x1  }
0x1: {  	s1 =	rddreg [dreg:$0x0]  }
0x2: {  	s2 =	rddreg [dreg:$0x1]  }
0x3: {  	s13 =	rddreg [dreg:$0x2]  }
0x4: {  	s3 =	rddreg [dreg:$0x3]  }
0x5: {  	s5 =	simm.s32 $0x0;
	s6 =	srdreg.scid;
	s4 =	stileid.u32  }
0x6: {  	s17 =	simm.s32 $0x2710;
	s18 =	simm.s32 $0x4E20;
	s19 =	simm.s32 $0x7E90  }
0x7: {  	s20 =	simm.s32 $0x7530;
	s21 =	simm.s32 $0x7850;
	s22 =	simm.s32 $0x320  }
0x8: {  	s23 =	simm.s32 $0x1;
	s24 =	simm.s32 $0x7B70;
	s25 =	simm.s32 $0x0  }
0x9: {  	[smem:$0x7FF] =	sst s5;
	s12 =	sand.u32 $0x1, s6;
	s6 =	sadd.s32 $0xAA00, s1  }
0xa: {  	s14 =	smul.u32 $0x9C00, s4;
	s7 =	sadd.s32 $0xC00, s1;
	s8 =	sadd.s32 $0x600, s1  }
0xb: {  	s11 =	sadd.s32 $0x9C000, s3;
	_ =	strace $0x80000047;
	s9 =	ssub.s32 $0x2, s12  }
0xc: {  	s15 =	smul.u32 $0x9C400, s12;
	p0 =	seq.s32 s12, $0x1;
	s10 =	sshrl.u32 s9, $0x1  }
0xd: {  	s16 =	ssub.s32 s9, s10;
	s9 =	smul.u32 $0x4E20, s4;
	s10 =	sadd.s32 s14, s3  }
0xe: {  	s14 =	sadd.s32 s14, s15;
	s31 =	sshrl.u32 s15, $0x3;
	s15 =	simm.s32 $0x14800  }
0xf: {  	s30 =	sshrl.u32 s14, $0x3;
	s14 =	smax.u32 s16, $0x1;
	s15 =	simm.s32 @!p0 $0x28200  }
0x10: {  	s16 =	simm.s32 $0x2;
	s12 =	sadd.s32 s13, s30;
	s13 =	sadd.s32 s13, s31  }
0x11: {  	v0 =	vimm.f32 $0.0e+00;
	p0 =	sne.s32 s4, $0xF;
	s15 =	sadd.s32 s15, s1;
	s13 =	sadd.s32 $0x13800, s13  }
.LBB2_1:
0x12: {  	[tilespmem:s5], [sflag:$0x2] =	stream.linear.gather [hbm4b:s8+s5], $0x2710, $0x38;
	[tilespmem:$0x1E2D0] =	vst v63  }
0x13: {  	_ =	swait.ge [sflag:s16], $0x2710  }
0x14: {  	[sflag:s16] =	ssyncset.done $0x0  }
0x15: {  	[sflag:s16] =	ssyncadd.s32 $0xFFFFD8F0  }
0x16: {  	[tilespmem:s17], [sflag:$0x2] =	stream.linear.gather [hbm4b:s1+s5], $0x2710, $0x38;
	[tilespmem:$0x1E2D0] =	vst v63  }
0x17: {  	_ =	swait.ge [sflag:s16], $0x2710  }
0x18: {  	[sflag:s16] =	ssyncset.done $0x0  }
0x19: {  	[sflag:s16] =	ssyncadd.s32 $0xFFFFD8F0  }
0x1a: {  	[tilespmem:s18], [sflag:$0x2] =	stream.linear.gather [hbm4b:s2+s5], $0x2710, $0x38;
	[tilespmem:$0x1E2D0] =	vst v63  }
0x1b: {  	_ =	swait.ge [sflag:s16], $0x2710  }
0x1c: {  	[sflag:s16] =	ssyncset.done $0x0  }
0x1d: {  	s28 =	simm.s32 $0x100;
	s26 =	simm.s32 $0x0;
	[sflag:s16] =	ssyncadd.s32 $0xFFFFD8F0  }
.LBB2_2:
0x1e: {  	p1 =	sne.s32 s28, $0x26F00;
	[tilespmem:s26+$0x7EC0] =	vst v0;
	s29 =	smov.u32 s28;
	s28 =	sadd.s32 $0x100, s28  }
.Ltmp0:
0x1f: {  	[tilespmem:s26+$0x7EB0] =	vst v0;
	(pc) =	sbr.rel @p1 .LBB2_2-.Ltmp0, $3  }
0x20: {  	[tilespmem:s26+$0x7E90] =	vst v0  }
0x21: {  	[tilespmem:s26+$0x7EA0] =	vst v0;
	_ =	sdelay $0x1  }
0x22: {  	s26 =	sshra.s32 s29, $0x2  }
0x23: {  	[tilespmem:s26+$0x7EC0] =	vst v0  }
0x24: {  	[tilespmem:s26+$0x7EB0] =	vst v0  }
0x25: {  	[tilespmem:s26+$0x7E90] =	vst v0  }
0x26: {  	[tilespmem:s26+$0x7EA0] =	vst v0  }
0x27: {  	[spmem:s10] =	stream.linear.scatter [tilespmem:s19], [sflag:$0x2], $0x9C00, $0x38;
	[tilespmem:$0x1E2D0] =	vst v63  }
0x28: {  	_ =	swait.ge [sflag:s16], $0x9C00  }
0x29: {  	[sflag:s16] =	ssyncset.done $0x0  }
0x2a: {  	s26 =	simm.s32 @!p0 $0x7E90;
	[sflag:s16] =	ssyncadd.s32 $0xFFFF6400  }
0x2b: {  	[spmem:s11] =	stream.linear.scatter @!p0 [tilespmem:s26], [sflag:$0x2], $0x400, $0x38;
	[tilespmem:$0x1E2D0] =	vst v63  }
0x2c: {  	s26 =	simm.s32 @!p0 $0x2  }
0x2d: {  	_ =	swait.ge @!p0 [sflag:s26], $0x400  }
0x2e: {  	[sflag:s26] =	ssyncset.done @!p0 $0x0  }
0x2f: {  	[sflag:s26] =	ssyncadd.s32 @!p0 $0xFFFFFC00  }
0x30: {  	s28 =	simm.s32 $0x0;
	s26 =	simm.s32 $0x0;
	[bflag:$0x0] =	sbarrier.arrive $0xFFFF  }
.LBB2_4:
0x31: {  	s29 =	smul.u32 $0x320, s28;
	_ =	sdelay $0x1  }
0x32: {  	s29 =	sadd.s32 s9, s29  }
0x33: {  	s29 =	sshrl.u32 s29, $0x3  }
0x34: {  	s30 =	sadd.s32 s6, s29  }
0x35: {  	[tilespmem:s20], [sflag:$0x2] =	stream.linear.gather [hbm4b:s30+s26], $0x320, $0x38;
	[tilespmem:$0x1E2D0] =	vst v63  }
0x36: {  	_ =	swait.ge [sflag:s16], $0x320  }
0x37: {  	[sflag:s16] =	ssyncset.done $0x0  }
0x38: {  	s29 =	sadd.s32 s7, s29;
	[sflag:s16] =	ssyncadd.s32 $0xFFFFFCE0  }
0x39: {  	[tilespmem:s21], [sflag:$0x2] =	stream.linear.gather [hbm4b:s29+s26], $0x320, $0x38;
	[tilespmem:$0x1E2D0] =	vst v63  }
0x3a: {  	_ =	swait.ge [sflag:s16], $0x320  }
0x3b: {  	[sflag:s16] =	ssyncset.done $0x0  }
0x3c: {  	s29 =	simm.s32 $0x0;
	[sflag:s16] =	ssyncadd.s32 $0xFFFFFCE0  }
0x3d: {  	[tilespmem:s19], [sflag:$0x1] =	stream.indirect.gather [hbm4b:s15+s22], $0x40, s20, s22, $0xb8;
	[tilespmem:$0x1E2D0] =	vst v63  }
0x3e: {  	v1 =	vld [tilespmem:s29+$0x7530]  }
0x3f: {  	v2 =	vld [tilespmem:s29+$0x7850];
	_ =	sdelay $0x6  }
0x40: {  	v3 =	vld.idx.msk [tilespmem:v1+s17+$0x0], $0xffff  }
0x41: {  	v4 =	vld.idx.msk [tilespmem:v2+s5+$0x0], $0xffff;
	_ =	sdelay $0x4  }
0x42: {  	v3 =	vadd.f32 v3, v4;
	_ =	sdelay $0x1  }
0x43: {  	v3 =	vadd.f32 v3, v3;
	_ =	sdelay $0x1  }
0x44: {  	v3 =	vmul.f32 $1.442695020e+00, v3;
	_ =	sdelay $0x1  }
0x45: {  	(erf) = vpow2.f32 v3;
	_ =	sdelay $0x8  }
0x46: {  	v3 =	vpop (erf)  }
0x47: {  	v3 =	vadd.f32 $1.000000000e+00, v3;
	_ =	sdelay $0x1  }
0x48: {  	(erf) = vrcp.f32 v3;
	_ =	sdelay $0x8  }
0x49: {  	v2 =	vld.idx.msk [tilespmem:v2+s18+$0x0], $0xffff;
	v4 =	vpop (erf)  }
0x4a: {  	s31 =	simm.s32 $0x10;
	v3 =	vld.idx.msk [tilespmem:v1+s18+$0x0], $0xffff;
	v4 =	vadd.f32 v4, v4  }
0x4b: {  	s30 =	simm.s32 $0x80;
	v1 =	vld [tilespmem:s31+$0x7530]  }
.LBB2_5:
0x4c: {  	p1 =	sne.s32 s30, $0xC40;
	v5 =	vld [tilespmem:s31+$0x7850];
	v4 =	vsub.f32 $1.000000000e+00, v4;
	_ =	sdelay $0x1  }
0x4d: {  	v2 =	vmul.f32 v4, v2;
	_ =	sdelay $0x1  }
0x4e: {  	v2 =	vmul.f32 v2, v3;
	_ =	sdelay $0x1  }
0x4f: {  	[tilespmem:s29+$0x7B70] =	vst v2;
	s29 =	smov.u32 s31  }
0x50: {  	v2 =	vld.idx.msk [tilespmem:v1+s17+$0x0], $0xffff  }
0x51: {  	v3 =	vld.idx.msk [tilespmem:v5+s5+$0x0], $0xffff;
	_ =	sdelay $0x5  }
0x52: {  	v2 =	vadd.f32 v2, v3;
	_ =	sdelay $0x1  }
0x53: {  	v2 =	vadd.f32 v2, v2;
	_ =	sdelay $0x1  }
0x54: {  	v2 =	vmul.f32 $1.442695020e+00, v2;
	_ =	sdelay $0x1  }
0x55: {  	(erf) = vpow2.f32 v2;
	_ =	sdelay $0x8  }
0x56: {  	v2 =	vpop (erf)  }
0x57: {  	v2 =	vadd.f32 $1.000000000e+00, v2;
	_ =	sdelay $0x1  }
0x58: {  	(erf) = vrcp.f32 v2;
	_ =	sdelay $0x6  }
.Ltmp1:
0x59: {  	(pc) =	sbr.rel @p1 .LBB2_5-.Ltmp1, $4  }
0x5a: {  	v2 =	vld.idx.msk [tilespmem:v5+s18+$0x0], $0xffff  }
0x5b: {  	v4 =	vpop (erf)  }
0x5c: {  	s31 =	sshra.s32 s30, $0x2;
	v3 =	vld.idx.msk [tilespmem:v1+s18+$0x0], $0xffff;
	v4 =	vadd.f32 v4, v4  }
0x5d: {  	s30 =	sadd.s32 $0x40, s30;
	v1 =	vld [tilespmem:s31+$0x7530]  }
0x5e: {  	_ = 	snop  }
0x5f: {  	v5 =	vld [tilespmem:s31+$0x7850];
	v4 =	vsub.f32 $1.000000000e+00, v4;
	_ =	sdelay $0x1  }
0x60: {  	v2 =	vmul.f32 v4, v2;
	_ =	sdelay $0x1  }
0x61: {  	v2 =	vmul.f32 v2, v3;
	_ =	sdelay $0x1  }
0x62: {  	[tilespmem:s29+$0x7B70] =	vst v2  }
0x63: {  	v2 =	vld.idx.msk [tilespmem:v1+s17+$0x0], $0xffff  }
0x64: {  	v3 =	vld.idx.msk [tilespmem:v5+s5+$0x0], $0xffff;
	_ =	sdelay $0x4  }
0x65: {  	v2 =	vadd.f32 v2, v3;
	_ =	sdelay $0x1  }
0x66: {  	v2 =	vadd.f32 v2, v2;
	_ =	sdelay $0x1  }
0x67: {  	v2 =	vmul.f32 $1.442695020e+00, v2;
	_ =	sdelay $0x1  }
0x68: {  	(erf) = vpow2.f32 v2;
	_ =	sdelay $0x8  }
0x69: {  	v2 =	vpop (erf)  }
0x6a: {  	v2 =	vadd.f32 $1.000000000e+00, v2;
	_ =	sdelay $0x1  }
0x6b: {  	(erf) = vrcp.f32 v2;
	_ =	sdelay $0x8  }
0x6c: {  	v2 =	vld.idx.msk [tilespmem:v5+s18+$0x0], $0xffff;
	v3 =	vpop (erf)  }
0x6d: {  	v3 =	vadd.f32 v3, v3  }
0x6e: {  	v1 =	vld.idx.msk [tilespmem:v1+s18+$0x0], $0xffff  }
0x6f: {  	v3 =	vsub.f32 $1.000000000e+00, v3;
	_ =	sdelay $0x1  }
0x70: {  	v2 =	vmul.f32 v3, v2;
	_ =	sdelay $0x1  }
0x71: {  	v1 =	vmul.f32 v2, v1;
	_ =	sdelay $0x1  }
0x72: {  	s29 =	simm.s32 $0x0;
	[tilespmem:s31+$0x7B70] =	vst v1  }
0x73: {  	v1 =	vmov s29;
	_ =	swait.ge [sflag:s23], $0xC800  }
0x74: {  	[sflag:s23] =	ssyncset.done $0x0  }
0x75: {  	s29 =	simm.s32 $0x7EB0;
	[sflag:s23] =	ssyncadd.s32 $0xFFFF3800  }
0x76: {  	v3 =	vld [tilespmem:s29+$0xFFFFFFF0]  }
0x77: {  	v4 =	vld [tilespmem:s29+$0x10]  }
0x78: {  	v6 =	vld.idx.msk [tilespmem:v1+s24+$0x0], $0xffff  }
0x79: {  	v1 =	vld [tilespmem:s29+$0xFFFFFFE0]  }
0x7a: {  	v7 =	vld [tilespmem:s29+$0x0];
	_ =	sdelay $0x3  }
0x7b: {  	s31 =	simm.s32 $0x1;
	v2 =	vmul.f32 v1, v6;
	v5 =	vmul.f32 v4, v6  }
0x7c: {  	s30 =	simm.s32 $0x2;
	v1 =	vmov s31;
	v4 =	vmul.f32 v3, v6;
	v3 =	vmul.f32 v7, v6;
	s31 =	simm.s32 $0x7EB0  }
.LBB2_7:
0x7d: {  	p1 =	sne.s32 s30, $0x31F  }
0x7e: {  	[tilespmem:s29+$0x10] =	vst v5;
	s31 =	sadd.s32 $0x40, s31;
	s0 =	smov.u32 s30;
	s30 =	sadd.s32 $0x1, s30  }
0x7f: {  	[tilespmem:s29+$0xFFFFFFE0] =	vst v2  }
0x80: {  	v6 =	vld [tilespmem:s31+$0xFFFFFFF0];
	[tilespmem:s29+$0xFFFFFFF0] =	vst v4  }
0x81: {  	v4 =	vld [tilespmem:s31+$0x10];
	[tilespmem:s29+$0x0] =	vst v3;
	s29 =	smov.u32 s31  }
0x82: {  	v3 =	vld.idx.msk [tilespmem:v1+s24+$0x0], $0xffff  }
0x83: {  	v1 =	vld [tilespmem:s31+$0xFFFFFFE0]  }
0x84: {  	v7 =	vld [tilespmem:s31+$0x0]  }
.Ltmp2:
0x85: {  	(pc) =	sbr.rel @p1 .LBB2_7-.Ltmp2, $3  }
0x86: {  	_ =	sdelay $0x1  }
0x87: {  	v5 =	vmul.f32 v4, v3;
	v2 =	vmul.f32 v1, v3  }
0x88: {  	v4 =	vmul.f32 v6, v3;
	v1 =	vmov s0;
	v3 =	vmul.f32 v7, v3  }
0x89: {  	[tilespmem:s29+$0x10] =	vst v5  }
0x8a: {  	s0 =	sadd.s32 $0x40, s31;
	[tilespmem:s29+$0xFFFFFFE0] =	vst v2  }
0x8b: {  	v2 =	vld [tilespmem:s0+$0xFFFFFFF0];
	[tilespmem:s29+$0xFFFFFFF0] =	vst v4  }
0x8c: {  	v4 =	vld [tilespmem:s0+$0x10];
	[tilespmem:s29+$0x0] =	vst v3  }
0x8d: {  	v1 =	vld.idx.msk [tilespmem:v1+s24+$0x0], $0xffff  }
0x8e: {  	v3 =	vld [tilespmem:s0+$0xFFFFFFE0];
	_ =	sdelay $0x1  }
0x8f: {  	v5 =	vld [tilespmem:s0+$0x0];
	_ =	sdelay $0x1  }
0x90: {  	v4 =	vmul.f32 v4, v1  }
0x91: {  	v3 =	vmul.f32 v3, v1  }
0x92: {  	v2 =	vmul.f32 v2, v1;
	[tilespmem:s0+$0x10] =	vst v4  }
0x93: {  	s28 =	sadd.s32 $0x1, s28;
	v1 =	vmul.f32 v5, v1;
	[tilespmem:s0+$0xFFFFFFE0] =	vst v3  }
0x94: {  	p1 =	sne.s32 s28, $0x19;
	[tilespmem:s0+$0xFFFFFFF0] =	vst v2  }
.Ltmp3:
0x95: {  	[tilespmem:s0+$0x0] =	vst v1;
	(pc) =	sbr.rel @p1 .LBB2_4-.Ltmp3, $4  }
0x96: {  	[spmem:s3] =	stream.indirect.scatter.add.f32 [tilespmem:s19], [sflag:$0x2], $0x40, s21, s22, $0xb8;
	[tilespmem:$0x1E2D0] =	vst v63  }
0x97: {  	_ =	swait.ge [sflag:s16], $0xC800  }
0x98: {  	[sflag:s16] =	ssyncset.done $0x0  }
0x99: {  	[sflag:s16] =	ssyncadd.s32 $0xFFFF3800  }
0x9a: {  	s0 =	sshll.u32 s4, $0x6  }
0x9b: {  	[bflag:$0x0] =	sbarrier.arrive $0xFFFF;
	s26 =	sshrl.u32 s10, $0x3;
	s0 =	sor.u32 $0x1C02, s0  }
0x9c: {  	[hbm:s12], [sflag:s0] =	dma.local [spmem:s26], $0x1380  }
0x9d: {  	_ =	swait.ge [sflag:s16], $0x1380  }
0x9e: {  	s25 =	sadd.s32 $0x1, s25;
	[sflag:s16] =	ssyncset.done $0x0  }
0x9f: {  	p1 =	sne.s32 s25, s14;
	s26 =	sshrl.u32 @!p0 s11, $0x3;
	[sflag:s16] =	ssyncadd.s32 $0xFFFFEC80  }
0xa0: {  	[hbm:s13], [sflag:s0] =	dma.local @!p0 [spmem:s26], $0x80  }
.Ltmp4:
0xa1: {  	_ = 	snop;
	(pc) =	sbr.rel @p1 .LBB2_1-.Ltmp4, $4  }
0xa2: {  	s0 =	simm.s32 @!p0 $0x2  }
0xa3: {  	_ =	swait.ge @!p0 [sflag:s0], $0x80  }
0xa4: {  	[sflag:s0] =	ssyncset.done @!p0 $0x0  }
0xa5: {  	[sflag:s0] =	ssyncadd.s32 @!p0 $0xFFFFFF80  }
0xa6: {  	_ =	sfence.sel $0x180000  }
0xa7: {  	[bflag:$0x0] =	sbarrier.arrive $0xFFFF  }
0xa8: {  	_ =	strace $0x90000047  }
0xa9: {  	[bflag:$0x2] =	sbarrier.arrive $0xFFFF  }
0xaa: {  	p0 =	sne.s32 s4, $0x0;
	s0 =	rddreg [dreg:$0x4]  }
0xab: {  	s0 =	sadd.s32 @!p0 $0x100000, s0  }
0xac: {  	[sflag:s0] =	ssyncadd.tile.s32 @!p0 $0x1;
	_ =	shalt  }
.Lfunc_end2:
_tile_overlayer_lowered:
.L_overlay_start_2:
0xad: {  	(tag) =	ssettag $0x2  }
0xae: {  	s0 =	rddreg [dreg:$0x0];
	s2 =	stileid.u32  }
0xaf: {  	s1 =	rddreg [dreg:$0x1];
	p0 =	sne.s32 s2, $0x0  }
0xb0: {  	s3 =	rddreg [dreg:$0x2];
	[bflag:$0x3] =	sbarrier.arrive $0xFFFF;
	s2 =	simm.s32 @!p0 $0x1C02  }
0xb1: {  	[timem:s3], [sflag:s2] =	dma.local @!p0 [hbm:s0], s1  }
0xb2: {  	s0 =	simm.s32 @!p0 $0x2  }
0xb3: {  	_ =	swait.ge @!p0 [sflag:s0], s1  }
0xb4: {  	s1 =	ssub.s32 @!p0 $0x0, s1;
	[sflag:s0] =	ssyncset.done @!p0 $0x0  }
0xb5: {  	[sflag:s0] =	ssyncadd.s32 @!p0 s1  }
0xb6: {  	[bflag:$0x3] =	sbarrier.arrive $0xFFFF  }
0xb7: {  	_ =	shalt  }

</sc_bundles>
